<compile_context>
chip_gen: v7x
topology: tpu7x:2x2x1
jax: 0.10.2.dev20260603
libtpu: 0.0.44.dev20260713+nightly
codegen_flags: <defaults>
</compile_context>

<pallas_src>
import functools

import jax
import jax.numpy as jnp
from jax import lax
from jax.experimental import pallas as pl
from jax.experimental.pallas import tpu as pltpu
from jax.experimental.pallas import tpu_sc as plsc

DIM = 64
PAD_IDX = 0
LANES = 16
NUM_CORES = 2
NUM_SUBCORES = 16
NW = NUM_CORES * NUM_SUBCORES
CHUNK = 512


def _emb_body(xf_hbm, table_hbm, out_hbm, idx_v, rows_v, sem):
    b = xf_hbm.shape[0]
    b_per_w = b // NW
    nchunks = b_per_w // CHUNK
    wid = lax.axis_index("s") * NUM_CORES + lax.axis_index("c")
    base = wid * b_per_w

    def chunk_body(ci, _):
        off = base + ci * CHUNK
        pltpu.sync_copy(xf_hbm.at[pl.ds(off, CHUNK)], idx_v)
        pltpu.async_copy(table_hbm.at[idx_v], rows_v, sem).wait()

        def fix_group(g, _):
            iv = idx_v[pl.ds(g * LANES, LANES)]
            m = iv == PAD_IDX

            @pl.when(jnp.any(m))
            def _zero_rows():
                rowpos = g * LANES + lax.iota(jnp.int32, LANES)
                z = jnp.zeros((LANES,), jnp.float32)
                for c in range(DIM):
                    col = jnp.full((LANES,), c, jnp.int32)
                    plsc.store_scatter(rows_v, [rowpos, col], z, mask=m)

            return 0

        lax.fori_loop(0, CHUNK // LANES, fix_group, 0)
        pltpu.sync_copy(rows_v, out_hbm.at[pl.ds(off, CHUNK)])
        return 0

    lax.fori_loop(0, nchunks, chunk_body, 0)


def _make_emb(b):
    mesh = plsc.VectorSubcoreMesh(core_axis_name="c", subcore_axis_name="s")
    return functools.partial(
        pl.kernel,
        mesh=mesh,
        out_type=jax.ShapeDtypeStruct((b, DIM), jnp.float32),
        scratch_types=[
            pltpu.VMEM((CHUNK,), jnp.int32),
            pltpu.VMEM((CHUNK, DIM), jnp.float32),
            pltpu.SemaphoreType.DMA,
        ],
        compiler_params=pltpu.CompilerParams(
            needs_layout_passes=False, use_tc_tiling_on_sc=False
        ),
    )(_emb_body)


def kernel(X, table):
    xf = X.reshape(-1).astype(jnp.int32)
    out = _make_emb(xf.shape[0])(xf, table)
    return out.reshape(X.shape + (DIM,))

# --- scband reference (transcript-rebuilt; emitter-appended) ---
"""Pipeline reference for scband-lexical-embedding-326417514647 (READ-ONLY COPY).

The authoritative reference and input builder live on the scoring server;
editing this copy changes nothing except your own understanding.
"""

import jax, jax.numpy as jnp
import numpy as np

VOCAB = 1000000
DIM = 64
PAD_IDX = 0

def setup_inputs(seed: int = 0) -> dict:
    key = jax.random.key(seed)
    k_idx, k_tab = jax.random.split(key)
    X = jax.random.randint(k_idx, (4096, 200), 0, VOCAB, dtype=jnp.int64 if jax.config.jax_enable_x64 else jnp.int32)
    table = jax.random.normal(k_tab, (VOCAB, DIM), dtype=jnp.float32)
    return {"X": X, "table": table}

def reference(X, table):
    # nn.Embedding with padding_idx: the padding row is zero (initialized to zero
    # and receives no gradient). Zero out the padding row, then gather.
    table_eff = table.at[PAD_IDX].set(0.0)
    out = jnp.take(table_eff, X.astype(jnp.int32), axis=0)
    return out

if __name__ == "__main__":
    import jax
    _d = setup_inputs()
    print(jax.jit(kernel)(*tuple(_d.values())))

</pallas_src>

<mosaic_0001>
#map = affine_map<(d0, d1) -> (0)>
#map1 = affine_map<(d0, d1) -> (0, 0)>
module attributes {stable_mosaic.version = 14 : i64} {
  func.func @_emb_body(%arg0: i32, %arg1: i32, %arg2: memref<819200xi32, #tpu.memory_space<hbm>>, %arg3: memref<1000000x64xf32, #tpu.memory_space<hbm>>, %arg4: memref<819200x64xf32, #tpu.memory_space<hbm>>, %arg5: memref<512xi32, #tpu.memory_space<vmem>>, %arg6: memref<512x64xf32, #tpu.memory_space<vmem>>, %arg7: memref<!tpu.dma_semaphore, #tpu.memory_space<semaphore_mem>>) attributes {dimension_semantics = [#tpu.dimension_semantics<core_parallel>, #tpu.dimension_semantics<subcore_parallel>], iteration_bounds = array<i64: 2, 16>, scalar_prefetch = 0 : i64, scratch_operands = 3 : i64, tpu.core_type = #tpu.core_type<sc_vector_subcore>, window_params = [{transform_indices = #map}, {transform_indices = #map1}, {transform_indices = #map1}]} {
    %mul3A = arith.constant 2 : i32
    %mul3A_0 = arith.muli %arg1, %mul3A : i32
    %add3A = arith.addi %mul3A_0, %arg0 : i32
    %mul3A_1 = arith.constant 25600 : i32
    %mul3A_2 = arith.muli %add3A, %mul3A_1 : i32
    %scan3A = arith.constant 0 : i32
    %scan3A_3 = arith.constant 0 : i32
    %scan3A_4 = arith.constant 50 : i32
    %scan3A_5 = arith.addi %scan3A_3, %scan3A_4 : i32
    %scan3A_6 = arith.constant 1 : i32
    %scan3A_7 = scf.for %scan3A_9 = %scan3A_3 to %scan3A_5 step %scan3A_6 iter_args(%scan3A_10 = %scan3A) -> (i32)  : i32 {
      %mul3A_11 = arith.constant 512 : i32
      %mul3A_12 = arith.muli %scan3A_9, %mul3A_11 : i32
      %add3A_13 = arith.addi %mul3A_2, %mul3A_12 : i32
      "tpu.region"() ({
        %run_scoped3A = tpu.sem_alloc : memref<!tpu.dma_semaphore, #tpu.memory_space<semaphore_mem>>
        %dma_start3A_26 = tpu.memref_slice %arg2[%add3A_13] : memref<819200xi32, #tpu.memory_space<hbm>> -> memref<512xi32, #tpu.memory_space<hbm>>
        %dma_start3A_27 = tpu.memref_slice %arg2[%add3A_13] : memref<819200xi32, #tpu.memory_space<hbm>> -> memref<512xi32, #tpu.memory_space<hbm>>
        tpu.enqueue_dma source(%dma_start3A_27 : memref<512xi32, #tpu.memory_space<hbm>>) target(%arg5 : memref<512xi32, #tpu.memory_space<vmem>>) target_semaphore(%run_scoped3A : memref<!tpu.dma_semaphore, #tpu.memory_space<semaphore_mem>>)
        %dma_wait3A_28 = tpu.memref_slice %arg2[%add3A_13] : memref<819200xi32, #tpu.memory_space<hbm>> -> memref<512xi32, #tpu.memory_space<hbm>>
        %dma_wait3A_29 = tpu.memref_slice %arg2[%add3A_13] : memref<819200xi32, #tpu.memory_space<hbm>> -> memref<512xi32, #tpu.memory_space<hbm>>
        tpu.wait_dma2 semaphore(%run_scoped3A : memref<!tpu.dma_semaphore, #tpu.memory_space<semaphore_mem>>) src(%dma_wait3A_29 : memref<512xi32, #tpu.memory_space<hbm>>) dst(%arg5 : memref<512xi32, #tpu.memory_space<vmem>>)
        tpu.yield
      }) : () -> ()
      %dma_start3A = arith.constant 0 : i32
      %dma_start3A_14 = arith.constant 0 : i32
      %dma_start3A_15 = tpu.memref_slice %arg3[%dma_start3A, %dma_start3A_14] : memref<1000000x64xf32, #tpu.memory_space<hbm>> -> memref<1000000x64xf32, #tpu.memory_space<hbm>>
      tpu.enqueue_indirect_dma source(%dma_start3A_15 : memref<1000000x64xf32, #tpu.memory_space<hbm>>) target(%arg6 : memref<512x64xf32, #tpu.memory_space<vmem>>) offsets(%arg5 : memref<512xi32, #tpu.memory_space<vmem>>) semaphore(%arg7 : memref<!tpu.dma_semaphore, #tpu.memory_space<semaphore_mem>>)
      %dma_wait3A = arith.constant 0 : i32
      %dma_wait3A_16 = arith.constant 0 : i32
      %dma_wait3A_17 = tpu.memref_slice %arg3[%dma_wait3A, %dma_wait3A_16] : memref<1000000x64xf32, #tpu.memory_space<hbm>> -> memref<1000000x64xf32, #tpu.memory_space<hbm>>
      tpu.wait_indirect_dma semaphore(%arg7 : memref<!tpu.dma_semaphore, #tpu.memory_space<semaphore_mem>>) src(%dma_wait3A_17 : memref<1000000x64xf32, #tpu.memory_space<hbm>>) dst(%arg6 : memref<512x64xf32, #tpu.memory_space<vmem>>)
      %scan3A_18 = arith.constant 0 : i32
      %scan3A_19 = arith.constant 0 : i32
      %scan3A_20 = arith.constant 32 : i32
      %scan3A_21 = arith.addi %scan3A_19, %scan3A_20 : i32
      %scan3A_22 = arith.constant 1 : i32
      %scan3A_23 = scf.for %scan3A_26 = %scan3A_19 to %scan3A_21 step %scan3A_22 iter_args(%scan3A_27 = %scan3A_18) -> (i32)  : i32 {
        %mul3A_28 = arith.constant 16 : i32
        %mul3A_29 = arith.muli %scan3A_26, %mul3A_28 : i32
        %get3A = arith.index_cast %mul3A_29 : i32 to index
        %get3A_30 = tpu.vector_load %arg5[%get3A] {strides = array<i32>} : memref<512xi32, #tpu.memory_space<vmem>>, vector<16xi32>,
        %eq3A = arith.constant 0 : i32
        %eq3A_31 = vector.broadcast %eq3A : i32 to vector<16xi32>
        %eq3A_32 = arith.cmpi eq, %get3A_30, %eq3A_31 : vector<16xi32>
        %reduce_or3A = arith.constant 1.000000e+00 : f32
        %reduce_or3A_33 = arith.constant 0.000000e+00 : f32
        %reduce_or3A_34 = vector.broadcast %reduce_or3A : f32 to vector<16xf32>
        %reduce_or3A_35 = vector.broadcast %reduce_or3A_33 : f32 to vector<16xf32>
        %reduce_or3A_36 = arith.select %eq3A_32, %reduce_or3A_34, %reduce_or3A_35 : vector<16xi1>, vector<16xf32>
        %reduce_or3A_37 = arith.constant true
        %reduce_or3A_38 = vector.broadcast %reduce_or3A_37 : i1 to vector<16xi1>
        %reduce_or3A_39 = tpu.scan <max>, %reduce_or3A_36 masked %reduce_or3A_38 : vector<16xf32>, vector<16xi1> -> vector<16xf32>
        %reduce_or3A_40 = vector.extract %reduce_or3A_39[15] : f32 from vector<16xf32>
        %reduce_or3A_41 = arith.constant 0.000000e+00 : f32
        %reduce_or3A_42 = arith.cmpf ogt, %reduce_or3A_40, %reduce_or3A_41 : f32
        %convert_element_type3A = arith.extui %reduce_or3A_42 : i1 to i32
        %cond3A = arith.constant 0 : i32
        %cond3A_43 = arith.cmpi ne, %convert_element_type3A, %cond3A : i32
        scf.if %cond3A_43 {
          %mul3A_45 = arith.constant 16 : i32
          %mul3A_46 = arith.muli %scan3A_26, %mul3A_45 : i32
          %iota3A = tpu.iota {dimensions = array<i32: 0>} : vector<16xi32>
          %add3A_47 = vector.broadcast %mul3A_46 : i32 to vector<16xi32>
          %add3A_48 = arith.addi %add3A_47, %iota3A : vector<16xi32>
          %broadcast_in_dim3A = arith.constant 0.000000e+00 : f32
          %broadcast_in_dim3A_49 = vector.broadcast %broadcast_in_dim3A : f32 to vector<16xf32>
          %broadcast_in_dim3A_50 = arith.constant 0 : i32
          %broadcast_in_dim3A_51 = vector.broadcast %broadcast_in_dim3A_50 : i32 to vector<16xi32>
          tpu.vector_store_idx %arg6[%add3A_48, %broadcast_in_dim3A_51], %broadcast_in_dim3A_49 masked %eq3A_32 : memref<512x64xf32, #tpu.memory_space<vmem>>[vector<16xi32>, vector<16xi32>], vector<16xf32>, vector<16xi1>
          %broadcast_in_dim3A_52 = arith.constant 1 : i32
          %broadcast_in_dim3A_53 = vector.broadcast %broadcast_in_dim3A_52 : i32 to vector<16xi32>
          tpu.vector_store_idx %arg6[%add3A_48, %broadcast_in_dim3A_53], %broadcast_in_dim3A_49 masked %eq3A_32 : memref<512x64xf32, #tpu.memory_space<vmem>>[vector<16xi32>, vector<16xi32>], vector<16xf32>, vector<16xi1>
          %broadcast_in_dim3A_54 = arith.constant 2 : i32
          %broadcast_in_dim3A_55 = vector.broadcast %broadcast_in_dim3A_54 : i32 to vector<16xi32>
          tpu.vector_store_idx %arg6[%add3A_48, %broadcast_in_dim3A_55], %broadcast_in_dim3A_49 masked %eq3A_32 : memref<512x64xf32, #tpu.memory_space<vmem>>[vector<16xi32>, vector<16xi32>], vector<16xf32>, vector<16xi1>
          %broadcast_in_dim3A_56 = arith.constant 3 : i32
          %broadcast_in_dim3A_57 = vector.broadcast %broadcast_in_dim3A_56 : i32 to vector<16xi32>
          tpu.vector_store_idx %arg6[%add3A_48, %broadcast_in_dim3A_57], %broadcast_in_dim3A_49 masked %eq3A_32 : memref<512x64xf32, #tpu.memory_space<vmem>>[vector<16xi32>, vector<16xi32>], vector<16xf32>, vector<16xi1>
          %broadcast_in_dim3A_58 = arith.constant 4 : i32
          %broadcast_in_dim3A_59 = vector.broadcast %broadcast_in_dim3A_58 : i32 to vector<16xi32>
          tpu.vector_store_idx %arg6[%add3A_48, %broadcast_in_dim3A_59], %broadcast_in_dim3A_49 masked %eq3A_32 : memref<512x64xf32, #tpu.memory_space<vmem>>[vector<16xi32>, vector<16xi32>], vector<16xf32>, vector<16xi1>
          %broadcast_in_dim3A_60 = arith.constant 5 : i32
          %broadcast_in_dim3A_61 = vector.broadcast %broadcast_in_dim3A_60 : i32 to vector<16xi32>
          tpu.vector_store_idx %arg6[%add3A_48, %broadcast_in_dim3A_61], %broadcast_in_dim3A_49 masked %eq3A_32 : memref<512x64xf32, #tpu.memory_space<vmem>>[vector<16xi32>, vector<16xi32>], vector<16xf32>, vector<16xi1>
          %broadcast_in_dim3A_62 = arith.constant 6 : i32
          %broadcast_in_dim3A_63 = vector.broadcast %broadcast_in_dim3A_62 : i32 to vector<16xi32>
          tpu.vector_store_idx %arg6[%add3A_48, %broadcast_in_dim3A_63], %broadcast_in_dim3A_49 masked %eq3A_32 : memref<512x64xf32, #tpu.memory_space<vmem>>[vector<16xi32>, vector<16xi32>], vector<16xf32>, vector<16xi1>
          %broadcast_in_dim3A_64 = arith.constant 7 : i32
          %broadcast_in_dim3A_65 = vector.broadcast %broadcast_in_dim3A_64 : i32 to vector<16xi32>
          tpu.vector_store_idx %arg6[%add3A_48, %broadcast_in_dim3A_65], %broadcast_in_dim3A_49 masked %eq3A_32 : memref<512x64xf32, #tpu.memory_space<vmem>>[vector<16xi32>, vector<16xi32>], vector<16xf32>, vector<16xi1>
          %broadcast_in_dim3A_66 = arith.constant 8 : i32
          %broadcast_in_dim3A_67 = vector.broadcast %broadcast_in_dim3A_66 : i32 to vector<16xi32>
          tpu.vector_store_idx %arg6[%add3A_48, %broadcast_in_dim3A_67], %broadcast_in_dim3A_49 masked %eq3A_32 : memref<512x64xf32, #tpu.memory_space<vmem>>[vector<16xi32>, vector<16xi32>], vector<16xf32>, vector<16xi1>
          %broadcast_in_dim3A_68 = arith.constant 9 : i32
          %broadcast_in_dim3A_69 = vector.broadcast %broadcast_in_dim3A_68 : i32 to vector<16xi32>
          tpu.vector_store_idx %arg6[%add3A_48, %broadcast_in_dim3A_69], %broadcast_in_dim3A_49 masked %eq3A_32 : memref<512x64xf32, #tpu.memory_space<vmem>>[vector<16xi32>, vector<16xi32>], vector<16xf32>, vector<16xi1>
          %broadcast_in_dim3A_70 = arith.constant 10 : i32
          %broadcast_in_dim3A_71 = vector.broadcast %broadcast_in_dim3A_70 : i32 to vector<16xi32>
          tpu.vector_store_idx %arg6[%add3A_48, %broadcast_in_dim3A_71], %broadcast_in_dim3A_49 masked %eq3A_32 : memref<512x64xf32, #tpu.memory_space<vmem>>[vector<16xi32>, vector<16xi32>], vector<16xf32>, vector<16xi1>
          %broadcast_in_dim3A_72 = arith.constant 11 : i32
          %broadcast_in_dim3A_73 = vector.broadcast %broadcast_in_dim3A_72 : i32 to vector<16xi32>
          tpu.vector_store_idx %arg6[%add3A_48, %broadcast_in_dim3A_73], %broadcast_in_dim3A_49 masked %eq3A_32 : memref<512x64xf32, #tpu.memory_space<vmem>>[vector<16xi32>, vector<16xi32>], vector<16xf32>, vector<16xi1>
          %broadcast_in_dim3A_74 = arith.constant 12 : i32
          %broadcast_in_dim3A_75 = vector.broadcast %broadcast_in_dim3A_74 : i32 to vector<16xi32>
          tpu.vector_store_idx %arg6[%add3A_48, %broadcast_in_dim3A_75], %broadcast_in_dim3A_49 masked %eq3A_32 : memref<512x64xf32, #tpu.memory_space<vmem>>[vector<16xi32>, vector<16xi32>], vector<16xf32>, vector<16xi1>
          %broadcast_in_dim3A_76 = arith.constant 13 : i32
          %broadcast_in_dim3A_77 = vector.broadcast %broadcast_in_dim3A_76 : i32 to vector<16xi32>
          tpu.vector_store_idx %arg6[%add3A_48, %broadcast_in_dim3A_77], %broadcast_in_dim3A_49 masked %eq3A_32 : memref<512x64xf32, #tpu.memory_space<vmem>>[vector<16xi32>, vector<16xi32>], vector<16xf32>, vector<16xi1>
          %broadcast_in_dim3A_78 = arith.constant 14 : i32
          %broadcast_in_dim3A_79 = vector.broadcast %broadcast_in_dim3A_78 : i32 to vector<16xi32>
          tpu.vector_store_idx %arg6[%add3A_48, %broadcast_in_dim3A_79], %broadcast_in_dim3A_49 masked %eq3A_32 : memref<512x64xf32, #tpu.memory_space<vmem>>[vector<16xi32>, vector<16xi32>], vector<16xf32>, vector<16xi1>
          %broadcast_in_dim3A_80 = arith.constant 15 : i32
          %broadcast_in_dim3A_81 = vector.broadcast %broadcast_in_dim3A_80 : i32 to vector<16xi32>
          tpu.vector_store_idx %arg6[%add3A_48, %broadcast_in_dim3A_81], %broadcast_in_dim3A_49 masked %eq3A_32 : memref<512x64xf32, #tpu.memory_space<vmem>>[vector<16xi32>, vector<16xi32>], vector<16xf32>, vector<16xi1>
          %broadcast_in_dim3A_82 = arith.constant 16 : i32
          %broadcast_in_dim3A_83 = vector.broadcast %broadcast_in_dim3A_82 : i32 to vector<16xi32>
          tpu.vector_store_idx %arg6[%add3A_48, %broadcast_in_dim3A_83], %broadcast_in_dim3A_49 masked %eq3A_32 : memref<512x64xf32, #tpu.memory_space<vmem>>[vector<16xi32>, vector<16xi32>], vector<16xf32>, vector<16xi1>
          %broadcast_in_dim3A_84 = arith.constant 17 : i32
          %broadcast_in_dim3A_85 = vector.broadcast %broadcast_in_dim3A_84 : i32 to vector<16xi32>
          tpu.vector_store_idx %arg6[%add3A_48, %broadcast_in_dim3A_85], %broadcast_in_dim3A_49 masked %eq3A_32 : memref<512x64xf32, #tpu.memory_space<vmem>>[vector<16xi32>, vector<16xi32>], vector<16xf32>, vector<16xi1>
          %broadcast_in_dim3A_86 = arith.constant 18 : i32
          %broadcast_in_dim3A_87 = vector.broadcast %broadcast_in_dim3A_86 : i32 to vector<16xi32>
          tpu.vector_store_idx %arg6[%add3A_48, %broadcast_in_dim3A_87], %broadcast_in_dim3A_49 masked %eq3A_32 : memref<512x64xf32, #tpu.memory_space<vmem>>[vector<16xi32>, vector<16xi32>], vector<16xf32>, vector<16xi1>
          %broadcast_in_dim3A_88 = arith.constant 19 : i32
          %broadcast_in_dim3A_89 = vector.broadcast %broadcast_in_dim3A_88 : i32 to vector<16xi32>
          tpu.vector_store_idx %arg6[%add3A_48, %broadcast_in_dim3A_89], %broadcast_in_dim3A_49 masked %eq3A_32 : memref<512x64xf32, #tpu.memory_space<vmem>>[vector<16xi32>, vector<16xi32>], vector<16xf32>, vector<16xi1>
          %broadcast_in_dim3A_90 = arith.constant 20 : i32
          %broadcast_in_dim3A_91 = vector.broadcast %broadcast_in_dim3A_90 : i32 to vector<16xi32>
          tpu.vector_store_idx %arg6[%add3A_48, %broadcast_in_dim3A_91], %broadcast_in_dim3A_49 masked %eq3A_32 : memref<512x64xf32, #tpu.memory_space<vmem>>[vector<16xi32>, vector<16xi32>], vector<16xf32>, vector<16xi1>
          %broadcast_in_dim3A_92 = arith.constant 21 : i32
          %broadcast_in_dim3A_93 = vector.broadcast %broadcast_in_dim3A_92 : i32 to vector<16xi32>
          tpu.vector_store_idx %arg6[%add3A_48, %broadcast_in_dim3A_93], %broadcast_in_dim3A_49 masked %eq3A_32 : memref<512x64xf32, #tpu.memory_space<vmem>>[vector<16xi32>, vector<16xi32>], vector<16xf32>, vector<16xi1>
          %broadcast_in_dim3A_94 = arith.constant 22 : i32
          %broadcast_in_dim3A_95 = vector.broadcast %broadcast_in_dim3A_94 : i32 to vector<16xi32>
          tpu.vector_store_idx %arg6[%add3A_48, %broadcast_in_dim3A_95], %broadcast_in_dim3A_49 masked %eq3A_32 : memref<512x64xf32, #tpu.memory_space<vmem>>[vector<16xi32>, vector<16xi32>], vector<16xf32>, vector<16xi1>
          %broadcast_in_dim3A_96 = arith.constant 23 : i32
          %broadcast_in_dim3A_97 = vector.broadcast %broadcast_in_dim3A_96 : i32 to vector<16xi32>
          tpu.vector_store_idx %arg6[%add3A_48, %broadcast_in_dim3A_97], %broadcast_in_dim3A_49 masked %eq3A_32 : memref<512x64xf32, #tpu.memory_space<vmem>>[vector<16xi32>, vector<16xi32>], vector<16xf32>, vector<16xi1>
          %broadcast_in_dim3A_98 = arith.constant 24 : i32
          %broadcast_in_dim3A_99 = vector.broadcast %broadcast_in_dim3A_98 : i32 to vector<16xi32>
          tpu.vector_store_idx %arg6[%add3A_48, %broadcast_in_dim3A_99], %broadcast_in_dim3A_49 masked %eq3A_32 : memref<512x64xf32, #tpu.memory_space<vmem>>[vector<16xi32>, vector<16xi32>], vector<16xf32>, vector<16xi1>
          %broadcast_in_dim3A_100 = arith.constant 25 : i32
          %broadcast_in_dim3A_101 = vector.broadcast %broadcast_in_dim3A_100 : i32 to vector<16xi32>
          tpu.vector_store_idx %arg6[%add3A_48, %broadcast_in_dim3A_101], %broadcast_in_dim3A_49 masked %eq3A_32 : memref<512x64xf32, #tpu.memory_space<vmem>>[vector<16xi32>, vector<16xi32>], vector<16xf32>, vector<16xi1>
          %broadcast_in_dim3A_102 = arith.constant 26 : i32
          %broadcast_in_dim3A_103 = vector.broadcast %broadcast_in_dim3A_102 : i32 to vector<16xi32>
          tpu.vector_store_idx %arg6[%add3A_48, %broadcast_in_dim3A_103], %broadcast_in_dim3A_49 masked %eq3A_32 : memref<512x64xf32, #tpu.memory_space<vmem>>[vector<16xi32>, vector<16xi32>], vector<16xf32>, vector<16xi1>
          %broadcast_in_dim3A_104 = arith.constant 27 : i32
          %broadcast_in_dim3A_105 = vector.broadcast %broadcast_in_dim3A_104 : i32 to vector<16xi32>
          tpu.vector_store_idx %arg6[%add3A_48, %broadcast_in_dim3A_105], %broadcast_in_dim3A_49 masked %eq3A_32 : memref<512x64xf32, #tpu.memory_space<vmem>>[vector<16xi32>, vector<16xi32>], vector<16xf32>, vector<16xi1>
          %broadcast_in_dim3A_106 = arith.constant 28 : i32
          %broadcast_in_dim3A_107 = vector.broadcast %broadcast_in_dim3A_106 : i32 to vector<16xi32>
          tpu.vector_store_idx %arg6[%add3A_48, %broadcast_in_dim3A_107], %broadcast_in_dim3A_49 masked %eq3A_32 : memref<512x64xf32, #tpu.memory_space<vmem>>[vector<16xi32>, vector<16xi32>], vector<16xf32>, vector<16xi1>
          %broadcast_in_dim3A_108 = arith.constant 29 : i32
          %broadcast_in_dim3A_109 = vector.broadcast %broadcast_in_dim3A_108 : i32 to vector<16xi32>
          tpu.vector_store_idx %arg6[%add3A_48, %broadcast_in_dim3A_109], %broadcast_in_dim3A_49 masked %eq3A_32 : memref<512x64xf32, #tpu.memory_space<vmem>>[vector<16xi32>, vector<16xi32>], vector<16xf32>, vector<16xi1>
          %broadcast_in_dim3A_110 = arith.constant 30 : i32
          %broadcast_in_dim3A_111 = vector.broadcast %broadcast_in_dim3A_110 : i32 to vector<16xi32>
          tpu.vector_store_idx %arg6[%add3A_48, %broadcast_in_dim3A_111], %broadcast_in_dim3A_49 masked %eq3A_32 : memref<512x64xf32, #tpu.memory_space<vmem>>[vector<16xi32>, vector<16xi32>], vector<16xf32>, vector<16xi1>
          %broadcast_in_dim3A_112 = arith.constant 31 : i32
          %broadcast_in_dim3A_113 = vector.broadcast %broadcast_in_dim3A_112 : i32 to vector<16xi32>
          tpu.vector_store_idx %arg6[%add3A_48, %broadcast_in_dim3A_113], %broadcast_in_dim3A_49 masked %eq3A_32 : memref<512x64xf32, #tpu.memory_space<vmem>>[vector<16xi32>, vector<16xi32>], vector<16xf32>, vector<16xi1>
          %broadcast_in_dim3A_114 = arith.constant 32 : i32
          %broadcast_in_dim3A_115 = vector.broadcast %broadcast_in_dim3A_114 : i32 to vector<16xi32>
          tpu.vector_store_idx %arg6[%add3A_48, %broadcast_in_dim3A_115], %broadcast_in_dim3A_49 masked %eq3A_32 : memref<512x64xf32, #tpu.memory_space<vmem>>[vector<16xi32>, vector<16xi32>], vector<16xf32>, vector<16xi1>
          %broadcast_in_dim3A_116 = arith.constant 33 : i32
          %broadcast_in_dim3A_117 = vector.broadcast %broadcast_in_dim3A_116 : i32 to vector<16xi32>
          tpu.vector_store_idx %arg6[%add3A_48, %broadcast_in_dim3A_117], %broadcast_in_dim3A_49 masked %eq3A_32 : memref<512x64xf32, #tpu.memory_space<vmem>>[vector<16xi32>, vector<16xi32>], vector<16xf32>, vector<16xi1>
          %broadcast_in_dim3A_118 = arith.constant 34 : i32
          %broadcast_in_dim3A_119 = vector.broadcast %broadcast_in_dim3A_118 : i32 to vector<16xi32>
          tpu.vector_store_idx %arg6[%add3A_48, %broadcast_in_dim3A_119], %broadcast_in_dim3A_49 masked %eq3A_32 : memref<512x64xf32, #tpu.memory_space<vmem>>[vector<16xi32>, vector<16xi32>], vector<16xf32>, vector<16xi1>
          %broadcast_in_dim3A_120 = arith.constant 35 : i32
          %broadcast_in_dim3A_121 = vector.broadcast %broadcast_in_dim3A_120 : i32 to vector<16xi32>
          tpu.vector_store_idx %arg6[%add3A_48, %broadcast_in_dim3A_121], %broadcast_in_dim3A_49 masked %eq3A_32 : memref<512x64xf32, #tpu.memory_space<vmem>>[vector<16xi32>, vector<16xi32>], vector<16xf32>, vector<16xi1>
          %broadcast_in_dim3A_122 = arith.constant 36 : i32
          %broadcast_in_dim3A_123 = vector.broadcast %broadcast_in_dim3A_122 : i32 to vector<16xi32>
          tpu.vector_store_idx %arg6[%add3A_48, %broadcast_in_dim3A_123], %broadcast_in_dim3A_49 masked %eq3A_32 : memref<512x64xf32, #tpu.memory_space<vmem>>[vector<16xi32>, vector<16xi32>], vector<16xf32>, vector<16xi1>
          %broadcast_in_dim3A_124 = arith.constant 37 : i32
          %broadcast_in_dim3A_125 = vector.broadcast %broadcast_in_dim3A_124 : i32 to vector<16xi32>
          tpu.vector_store_idx %arg6[%add3A_48, %broadcast_in_dim3A_125], %broadcast_in_dim3A_49 masked %eq3A_32 : memref<512x64xf32, #tpu.memory_space<vmem>>[vector<16xi32>, vector<16xi32>], vector<16xf32>, vector<16xi1>
          %broadcast_in_dim3A_126 = arith.constant 38 : i32
          %broadcast_in_dim3A_127 = vector.broadcast %broadcast_in_dim3A_126 : i32 to vector<16xi32>
          tpu.vector_store_idx %arg6[%add3A_48, %broadcast_in_dim3A_127], %broadcast_in_dim3A_49 masked %eq3A_32 : memref<512x64xf32, #tpu.memory_space<vmem>>[vector<16xi32>, vector<16xi32>], vector<16xf32>, vector<16xi1>
          %broadcast_in_dim3A_128 = arith.constant 39 : i32
          %broadcast_in_dim3A_129 = vector.broadcast %broadcast_in_dim3A_128 : i32 to vector<16xi32>
          tpu.vector_store_idx %arg6[%add3A_48, %broadcast_in_dim3A_129], %broadcast_in_dim3A_49 masked %eq3A_32 : memref<512x64xf32, #tpu.memory_space<vmem>>[vector<16xi32>, vector<16xi32>], vector<16xf32>, vector<16xi1>
          %broadcast_in_dim3A_130 = arith.constant 40 : i32
          %broadcast_in_dim3A_131 = vector.broadcast %broadcast_in_dim3A_130 : i32 to vector<16xi32>
          tpu.vector_store_idx %arg6[%add3A_48, %broadcast_in_dim3A_131], %broadcast_in_dim3A_49 masked %eq3A_32 : memref<512x64xf32, #tpu.memory_space<vmem>>[vector<16xi32>, vector<16xi32>], vector<16xf32>, vector<16xi1>
          %broadcast_in_dim3A_132 = arith.constant 41 : i32
          %broadcast_in_dim3A_133 = vector.broadcast %broadcast_in_dim3A_132 : i32 to vector<16xi32>
          tpu.vector_store_idx %arg6[%add3A_48, %broadcast_in_dim3A_133], %broadcast_in_dim3A_49 masked %eq3A_32 : memref<512x64xf32, #tpu.memory_space<vmem>>[vector<16xi32>, vector<16xi32>], vector<16xf32>, vector<16xi1>
          %broadcast_in_dim3A_134 = arith.constant 42 : i32
          %broadcast_in_dim3A_135 = vector.broadcast %broadcast_in_dim3A_134 : i32 to vector<16xi32>
          tpu.vector_store_idx %arg6[%add3A_48, %broadcast_in_dim3A_135], %broadcast_in_dim3A_49 masked %eq3A_32 : memref<512x64xf32, #tpu.memory_space<vmem>>[vector<16xi32>, vector<16xi32>], vector<16xf32>, vector<16xi1>
          %broadcast_in_dim3A_136 = arith.constant 43 : i32
          %broadcast_in_dim3A_137 = vector.broadcast %broadcast_in_dim3A_136 : i32 to vector<16xi32>
          tpu.vector_store_idx %arg6[%add3A_48, %broadcast_in_dim3A_137], %broadcast_in_dim3A_49 masked %eq3A_32 : memref<512x64xf32, #tpu.memory_space<vmem>>[vector<16xi32>, vector<16xi32>], vector<16xf32>, vector<16xi1>
          %broadcast_in_dim3A_138 = arith.constant 44 : i32
          %broadcast_in_dim3A_139 = vector.broadcast %broadcast_in_dim3A_138 : i32 to vector<16xi32>
          tpu.vector_store_idx %arg6[%add3A_48, %broadcast_in_dim3A_139], %broadcast_in_dim3A_49 masked %eq3A_32 : memref<512x64xf32, #tpu.memory_space<vmem>>[vector<16xi32>, vector<16xi32>], vector<16xf32>, vector<16xi1>
          %broadcast_in_dim3A_140 = arith.constant 45 : i32
          %broadcast_in_dim3A_141 = vector.broadcast %broadcast_in_dim3A_140 : i32 to vector<16xi32>
          tpu.vector_store_idx %arg6[%add3A_48, %broadcast_in_dim3A_141], %broadcast_in_dim3A_49 masked %eq3A_32 : memref<512x64xf32, #tpu.memory_space<vmem>>[vector<16xi32>, vector<16xi32>], vector<16xf32>, vector<16xi1>
          %broadcast_in_dim3A_142 = arith.constant 46 : i32
          %broadcast_in_dim3A_143 = vector.broadcast %broadcast_in_dim3A_142 : i32 to vector<16xi32>
          tpu.vector_store_idx %arg6[%add3A_48, %broadcast_in_dim3A_143], %broadcast_in_dim3A_49 masked %eq3A_32 : memref<512x64xf32, #tpu.memory_space<vmem>>[vector<16xi32>, vector<16xi32>], vector<16xf32>, vector<16xi1>
          %broadcast_in_dim3A_144 = arith.constant 47 : i32
          %broadcast_in_dim3A_145 = vector.broadcast %broadcast_in_dim3A_144 : i32 to vector<16xi32>
          tpu.vector_store_idx %arg6[%add3A_48, %broadcast_in_dim3A_145], %broadcast_in_dim3A_49 masked %eq3A_32 : memref<512x64xf32, #tpu.memory_space<vmem>>[vector<16xi32>, vector<16xi32>], vector<16xf32>, vector<16xi1>
          %broadcast_in_dim3A_146 = arith.constant 48 : i32
          %broadcast_in_dim3A_147 = vector.broadcast %broadcast_in_dim3A_146 : i32 to vector<16xi32>
          tpu.vector_store_idx %arg6[%add3A_48, %broadcast_in_dim3A_147], %broadcast_in_dim3A_49 masked %eq3A_32 : memref<512x64xf32, #tpu.memory_space<vmem>>[vector<16xi32>, vector<16xi32>], vector<16xf32>, vector<16xi1>
          %broadcast_in_dim3A_148 = arith.constant 49 : i32
          %broadcast_in_dim3A_149 = vector.broadcast %broadcast_in_dim3A_148 : i32 to vector<16xi32>
          tpu.vector_store_idx %arg6[%add3A_48, %broadcast_in_dim3A_149], %broadcast_in_dim3A_49 masked %eq3A_32 : memref<512x64xf32, #tpu.memory_space<vmem>>[vector<16xi32>, vector<16xi32>], vector<16xf32>, vector<16xi1>
          %broadcast_in_dim3A_150 = arith.constant 50 : i32
          %broadcast_in_dim3A_151 = vector.broadcast %broadcast_in_dim3A_150 : i32 to vector<16xi32>
          tpu.vector_store_idx %arg6[%add3A_48, %broadcast_in_dim3A_151], %broadcast_in_dim3A_49 masked %eq3A_32 : memref<512x64xf32, #tpu.memory_space<vmem>>[vector<16xi32>, vector<16xi32>], vector<16xf32>, vector<16xi1>
          %broadcast_in_dim3A_152 = arith.constant 51 : i32
          %broadcast_in_dim3A_153 = vector.broadcast %broadcast_in_dim3A_152 : i32 to vector<16xi32>
          tpu.vector_store_idx %arg6[%add3A_48, %broadcast_in_dim3A_153], %broadcast_in_dim3A_49 masked %eq3A_32 : memref<512x64xf32, #tpu.memory_space<vmem>>[vector<16xi32>, vector<16xi32>], vector<16xf32>, vector<16xi1>
          %broadcast_in_dim3A_154 = arith.constant 52 : i32
          %broadcast_in_dim3A_155 = vector.broadcast %broadcast_in_dim3A_154 : i32 to vector<16xi32>
          tpu.vector_store_idx %arg6[%add3A_48, %broadcast_in_dim3A_155], %broadcast_in_dim3A_49 masked %eq3A_32 : memref<512x64xf32, #tpu.memory_space<vmem>>[vector<16xi32>, vector<16xi32>], vector<16xf32>, vector<16xi1>
          %broadcast_in_dim3A_156 = arith.constant 53 : i32
          %broadcast_in_dim3A_157 = vector.broadcast %broadcast_in_dim3A_156 : i32 to vector<16xi32>
          tpu.vector_store_idx %arg6[%add3A_48, %broadcast_in_dim3A_157], %broadcast_in_dim3A_49 masked %eq3A_32 : memref<512x64xf32, #tpu.memory_space<vmem>>[vector<16xi32>, vector<16xi32>], vector<16xf32>, vector<16xi1>
          %broadcast_in_dim3A_158 = arith.constant 54 : i32
          %broadcast_in_dim3A_159 = vector.broadcast %broadcast_in_dim3A_158 : i32 to vector<16xi32>
          tpu.vector_store_idx %arg6[%add3A_48, %broadcast_in_dim3A_159], %broadcast_in_dim3A_49 masked %eq3A_32 : memref<512x64xf32, #tpu.memory_space<vmem>>[vector<16xi32>, vector<16xi32>], vector<16xf32>, vector<16xi1>
          %broadcast_in_dim3A_160 = arith.constant 55 : i32
          %broadcast_in_dim3A_161 = vector.broadcast %broadcast_in_dim3A_160 : i32 to vector<16xi32>
          tpu.vector_store_idx %arg6[%add3A_48, %broadcast_in_dim3A_161], %broadcast_in_dim3A_49 masked %eq3A_32 : memref<512x64xf32, #tpu.memory_space<vmem>>[vector<16xi32>, vector<16xi32>], vector<16xf32>, vector<16xi1>
          %broadcast_in_dim3A_162 = arith.constant 56 : i32
          %broadcast_in_dim3A_163 = vector.broadcast %broadcast_in_dim3A_162 : i32 to vector<16xi32>
          tpu.vector_store_idx %arg6[%add3A_48, %broadcast_in_dim3A_163], %broadcast_in_dim3A_49 masked %eq3A_32 : memref<512x64xf32, #tpu.memory_space<vmem>>[vector<16xi32>, vector<16xi32>], vector<16xf32>, vector<16xi1>
          %broadcast_in_dim3A_164 = arith.constant 57 : i32
          %broadcast_in_dim3A_165 = vector.broadcast %broadcast_in_dim3A_164 : i32 to vector<16xi32>
          tpu.vector_store_idx %arg6[%add3A_48, %broadcast_in_dim3A_165], %broadcast_in_dim3A_49 masked %eq3A_32 : memref<512x64xf32, #tpu.memory_space<vmem>>[vector<16xi32>, vector<16xi32>], vector<16xf32>, vector<16xi1>
          %broadcast_in_dim3A_166 = arith.constant 58 : i32
          %broadcast_in_dim3A_167 = vector.broadcast %broadcast_in_dim3A_166 : i32 to vector<16xi32>
          tpu.vector_store_idx %arg6[%add3A_48, %broadcast_in_dim3A_167], %broadcast_in_dim3A_49 masked %eq3A_32 : memref<512x64xf32, #tpu.memory_space<vmem>>[vector<16xi32>, vector<16xi32>], vector<16xf32>, vector<16xi1>
          %broadcast_in_dim3A_168 = arith.constant 59 : i32
          %broadcast_in_dim3A_169 = vector.broadcast %broadcast_in_dim3A_168 : i32 to vector<16xi32>
          tpu.vector_store_idx %arg6[%add3A_48, %broadcast_in_dim3A_169], %broadcast_in_dim3A_49 masked %eq3A_32 : memref<512x64xf32, #tpu.memory_space<vmem>>[vector<16xi32>, vector<16xi32>], vector<16xf32>, vector<16xi1>
          %broadcast_in_dim3A_170 = arith.constant 60 : i32
          %broadcast_in_dim3A_171 = vector.broadcast %broadcast_in_dim3A_170 : i32 to vector<16xi32>
          tpu.vector_store_idx %arg6[%add3A_48, %broadcast_in_dim3A_171], %broadcast_in_dim3A_49 masked %eq3A_32 : memref<512x64xf32, #tpu.memory_space<vmem>>[vector<16xi32>, vector<16xi32>], vector<16xf32>, vector<16xi1>
          %broadcast_in_dim3A_172 = arith.constant 61 : i32
          %broadcast_in_dim3A_173 = vector.broadcast %broadcast_in_dim3A_172 : i32 to vector<16xi32>
          tpu.vector_store_idx %arg6[%add3A_48, %broadcast_in_dim3A_173], %broadcast_in_dim3A_49 masked %eq3A_32 : memref<512x64xf32, #tpu.memory_space<vmem>>[vector<16xi32>, vector<16xi32>], vector<16xf32>, vector<16xi1>
          %broadcast_in_dim3A_174 = arith.constant 62 : i32
          %broadcast_in_dim3A_175 = vector.broadcast %broadcast_in_dim3A_174 : i32 to vector<16xi32>
          tpu.vector_store_idx %arg6[%add3A_48, %broadcast_in_dim3A_175], %broadcast_in_dim3A_49 masked %eq3A_32 : memref<512x64xf32, #tpu.memory_space<vmem>>[vector<16xi32>, vector<16xi32>], vector<16xf32>, vector<16xi1>
          %broadcast_in_dim3A_176 = arith.constant 63 : i32
          %broadcast_in_dim3A_177 = vector.broadcast %broadcast_in_dim3A_176 : i32 to vector<16xi32>
          tpu.vector_store_idx %arg6[%add3A_48, %broadcast_in_dim3A_177], %broadcast_in_dim3A_49 masked %eq3A_32 : memref<512x64xf32, #tpu.memory_space<vmem>>[vector<16xi32>, vector<16xi32>], vector<16xf32>, vector<16xi1>
        } else {
        }
        %scan3A_44 = arith.constant 0 : i32
        scf.yield %scan3A_44 : i32
      }
      %scan3A_24 = arith.constant 32 : i32
      "tpu.region"() ({
        %run_scoped3A = tpu.sem_alloc : memref<!tpu.dma_semaphore, #tpu.memory_space<semaphore_mem>>
        %dma_start3A_26 = arith.constant 0 : i32
        %dma_start3A_27 = tpu.memref_slice %arg4[%add3A_13, %dma_start3A_26] : memref<819200x64xf32, #tpu.memory_space<hbm>> -> memref<512x64xf32, #tpu.memory_space<hbm>>
        %dma_start3A_28 = arith.constant 0 : i32
        %dma_start3A_29 = tpu.memref_slice %arg4[%add3A_13, %dma_start3A_28] : memref<819200x64xf32, #tpu.memory_space<hbm>> -> memref<512x64xf32, #tpu.memory_space<hbm>>
        tpu.enqueue_dma source(%arg6 : memref<512x64xf32, #tpu.memory_space<vmem>>) target(%dma_start3A_29 : memref<512x64xf32, #tpu.memory_space<hbm>>) target_semaphore(%run_scoped3A : memref<!tpu.dma_semaphore, #tpu.memory_space<semaphore_mem>>)
        %dma_wait3A_30 = arith.constant 0 : i32
        %dma_wait3A_31 = tpu.memref_slice %arg4[%add3A_13, %dma_wait3A_30] : memref<819200x64xf32, #tpu.memory_space<hbm>> -> memref<512x64xf32, #tpu.memory_space<hbm>>
        %dma_wait3A_32 = arith.constant 0 : i32
        %dma_wait3A_33 = tpu.memref_slice %arg4[%add3A_13, %dma_wait3A_32] : memref<819200x64xf32, #tpu.memory_space<hbm>> -> memref<512x64xf32, #tpu.memory_space<hbm>>
        tpu.wait_dma2 semaphore(%run_scoped3A : memref<!tpu.dma_semaphore, #tpu.memory_space<semaphore_mem>>) src(%arg6 : memref<512x64xf32, #tpu.memory_space<vmem>>) dst(%dma_wait3A_33 : memref<512x64xf32, #tpu.memory_space<hbm>>)
        tpu.yield
      }) : () -> ()
      %scan3A_25 = arith.constant 0 : i32
      scf.yield %scan3A_25 : i32
    }
    %scan3A_8 = arith.constant 50 : i32
    return
  }
}

</mosaic_0001>

<sc_bundles>
// kernel: kernel.3.cloned.1.call-start
scs
__scs_entry_jumppad:
0x0: {  	(pc) =	sbr.rel $0x88, $3  }
0x1: {  	(tag) =	ssettag $0x0;
	lr =	simm.s32 $0x1  }
0x2: {  	[smem:$0x3F9F] =	sst lr;
	_ =	strace $0xD0000000  }
0x3: {  	_ = 	snop  }
0x4: {  	_ = 	snop  }
0x5: {  	_ = 	snop  }
0x6: {  	_ = 	snop  }
0x7: {  	_ = 	snop  }
__scs_overlays_trampoline_lowered:
0x8: {  	[smem:$0x3FAE] =	sst s0  }
0x9: {  	[smem:$0x3FAF] =	sst s1  }
0xa: {  	[smem:$0x3FB0] =	sst s2  }
0xb: {  	[smem:$0x3FB1] =	sst s3  }
0xc: {  	[smem:$0x3FB2] =	sst s4  }
0xd: {  	[smem:$0x3FB3] =	sst s5  }
0xe: {  	[smem:$0x3FB4] =	sst s6  }
0xf: {  	[smem:$0x3FB5] =	sst s7  }
0x10: {  	[smem:$0x3FB6] =	sst s8  }
0x11: {  	[smem:$0x3FB7] =	sst s9;
	s0 =	simm.s32 @!p0 $0x0  }
0x12: {  	s1 =	sld [smem:$0x3F9D];
	s0 =	simm.s32 @p0 $0x1  }
0x13: {  	[smem:$0x3FB8] =	sst s0;
	s0 =	simm.s32 @!p1 $0x0  }
0x14: {  	s2 =	sld [smem:$0x3F9C];
	s0 =	simm.s32 @p1 $0x1  }
0x15: {  	[smem:$0x3FB9] =	sst s0;
	s0 =	simm.s32 @!p2 $0x0  }
0x16: {  	s3 =	sld [smem:$0x3FDB];
	s0 =	simm.s32 @p2 $0x1  }
0x17: {  	s4 =	simm.s32 $0x1BF5;
	[smem:$0x3FBB] =	sst s0  }
0x18: {  	s0 =	sld [smem:$0x3F9E];
	_ =	swait.ge [sflag:s4], $0x0  }
0x19: {  	s7 =	sld [smem:$0x3F9F]  }
0x1a: {  	s8 =	sadd.s32 $0xFFFFE003, lr  }
0x1b: {  	s9 =	sadd.s32 $0xFFFFFEF7, lr;
	s5 =	simm.s32 $0xFFFFFFFF;
	p2 =	slt.u32 s8, $0xFFFFF086  }
0x1c: {  	p1 =	slt.u32 s9, $0xF7A;
	s5 =	simm.s32 @!p2 $0x0  }
0x1d: {  	s5 =	simm.s32 @p1 $0x1;
	p0 =	seq.s32 s7, s2  }
0x1e: {  	s7 =	smul.u32 @!p0 $0xF7A, s2;
	p2 =	seq.s32 @!p0 s5, $0x0  }
0x1f: {  	s9 =	smul.u32 $0xF7A, s1;
	s8 =	simm.s32 @!p0 $0x1BF5;
	p2 =	por !p2, p0  }
0x20: {  	[sflag:s8] =	ssyncset.s32 @!p0 $0xFFFFF086;
	s6 =	sadd.s32 @!p0 s3, s7;
	s7 =	simm.s32 @!p0 $0x108  }
0x21: {  	s3 =	sadd.s32 s3, s9;
	s6 =	sadd.s32 @!p0 $0x88, s6;
	s7 =	simm.s32 @p2 $0x1082  }
0x22: {  	[simem:s7], [sflag:s8] =	dma.local @!p0 [hbm:s6], $0xF7A  }
0x23: {  	s9 =	sor.u32 $0xD0000000, s2;
	s6 =	simm.s32 $0x108;
	_ =	swait.ge @!p0 [sflag:s8], $0x0  }
0x24: {  	s3 =	sadd.s32 $0x88, s3;
	s6 =	simm.s32 @!p1 $0x1082;
	[sflag:s4] =	ssyncset.s32 $0xFFFFF086  }
0x25: {  	[simem:s6], [sflag:s4] =	dma.local [hbm:s3], $0xF7A  }
0x26: {  	[smem:$0x3F9F] =	sst s1;
	(tag) =	ssettag s2;
	_ =	strace s9  }
0x27: {  	s1 =	sld [smem:$0x3FAF]  }
0x28: {  	s2 =	sld [smem:$0x3FB0]  }
0x29: {  	s4 =	sld [smem:$0x3FB2]  }
0x2a: {  	p0 =	seq.s32 s5, $0x0;
	s5 =	sld [smem:$0x3FB3]  }
0x2b: {  	s6 =	sld [smem:$0x3FB4]  }
0x2c: {  	s7 =	sld [smem:$0x3FB5]  }
0x2d: {  	s3 =	simm.s32 $0x108;
	s8 =	sld [smem:$0x3FB6]  }
0x2e: {  	s3 =	simm.s32 @!p0 $0x1082;
	s9 =	sld [smem:$0x3FB7]  }
0x2f: {  	lr =	sadd.s32 s0, s3;
	s0 =	sld [smem:$0x3FAE]  }
0x30: {  	s3 =	sld [smem:$0x3FB1]  }
0x31: {  	[smem:$0x3FBA] =	sst s10  }
0x32: {  	s10 =	sld [smem:$0x3FB8];
	_ =	sdelay $0x3  }
0x33: {  	p0 =	seq.s32 s10, $0x1;
	s10 =	sld [smem:$0x3FBA];
	_ =	sdelay $0x3  }
0x34: {  	[smem:$0x3FBA] =	sst s10  }
0x35: {  	s10 =	sld [smem:$0x3FB9];
	_ =	sdelay $0x3  }
0x36: {  	p1 =	seq.s32 s10, $0x1;
	s10 =	sld [smem:$0x3FBA];
	_ =	sdelay $0x3  }
0x37: {  	[smem:$0x3FBA] =	sst s10  }
0x38: {  	s10 =	sld [smem:$0x3FBB]  }
0x39: {  	_ = 	snop;
	(pc) =	sbr.ind lr, $3  }
0x3a: {  	_ = 	snop  }
0x3b: {  	_ = 	snop  }
0x3c: {  	p2 =	seq.s32 s10, $0x1;
	s10 =	sld [smem:$0x3FBA]  }
0x3d: {  	_ =	shalt  }
0x3e: {  	_ =	shalt  }
0x3f: {  	_ =	shalt  }
0x40: {  	_ =	shalt  }
0x41: {  	_ =	shalt  }
0x42: {  	_ =	shalt  }
0x43: {  	_ =	shalt  }
0x44: {  	_ =	shalt  }
0x45: {  	_ =	shalt  }
0x46: {  	_ =	shalt  }
0x47: {  	_ =	shalt  }
0x48: {  	_ =	shalt  }
0x49: {  	_ =	shalt  }
0x4a: {  	_ =	shalt  }
0x4b: {  	_ =	shalt  }
0x4c: {  	_ =	shalt  }
0x4d: {  	_ =	shalt  }
0x4e: {  	_ =	shalt  }
0x4f: {  	_ =	shalt  }
0x50: {  	_ =	shalt  }
0x51: {  	_ =	shalt  }
0x52: {  	_ =	shalt  }
0x53: {  	_ =	shalt  }
0x54: {  	_ =	shalt  }
0x55: {  	_ =	shalt  }
0x56: {  	_ =	shalt  }
0x57: {  	_ =	shalt  }
0x58: {  	_ =	shalt  }
0x59: {  	_ =	shalt  }
0x5a: {  	_ =	shalt  }
0x5b: {  	_ =	shalt  }
0x5c: {  	_ =	shalt  }
0x5d: {  	_ =	shalt  }
0x5e: {  	_ =	shalt  }
0x5f: {  	_ =	shalt  }
0x60: {  	_ =	shalt  }
0x61: {  	_ =	shalt  }
0x62: {  	_ =	shalt  }
0x63: {  	_ =	shalt  }
0x64: {  	_ =	shalt  }
0x65: {  	_ =	shalt  }
0x66: {  	_ =	shalt  }
0x67: {  	_ =	shalt  }
0x68: {  	_ =	shalt  }
0x69: {  	_ =	shalt  }
0x6a: {  	_ =	shalt  }
0x6b: {  	_ =	shalt  }
0x6c: {  	_ =	shalt  }
0x6d: {  	_ =	shalt  }
0x6e: {  	_ =	shalt  }
0x6f: {  	_ =	shalt  }
0x70: {  	_ =	shalt  }
0x71: {  	_ =	shalt  }
0x72: {  	_ =	shalt  }
0x73: {  	_ =	shalt  }
0x74: {  	_ =	shalt  }
0x75: {  	_ =	shalt  }
0x76: {  	_ =	shalt  }
0x77: {  	_ =	shalt  }
0x78: {  	_ =	shalt  }
0x79: {  	_ =	shalt  }
0x7a: {  	_ =	shalt  }
0x7b: {  	_ =	shalt  }
0x7c: {  	_ =	shalt  }
0x7d: {  	_ =	shalt  }
0x7e: {  	_ =	shalt  }
0x7f: {  	_ =	shalt  }
0x80: {  	_ =	shalt  }
0x81: {  	_ =	shalt  }
0x82: {  	_ =	shalt  }
0x83: {  	_ =	shalt  }
0x84: {  	_ =	shalt  }
0x85: {  	_ =	shalt  }
0x86: {  	_ =	shalt  }
0x87: {  	_ =	shalt  }
.Lfunc_end0:
.L_simem_size_0:
called_computation.1_lowered:
.L_overlay_start_0:
0x88: {  	s2 =	sld [smem:$0x3FD9]  }
0x89: {  	s3 =	sld [smem:$0x3FFE];
	_ =	sdelay $0x1  }
0x8a: {  	s1 =	srdreg.scid  }
0x8b: {  	s0 =	sand.u32 $0x1, s1  }
0x8c: {  	s17 =	sshll.u32 s0, $0xA;
	s2 =	sadd.s32 s3, s2  }
0x8d: {  	s2 =	sadd.s32 s2, s17  }
0x8e: {  	[smem:$0x3FC6] =	sst s2  }
0x8f: {  	_ = 	snop  }
0x90: {  	s2 =	sld [smem:$0x3FD0];
	(tm) =	ssettm $0x1  }
0x91: {  	s18 =	sld [smem:$0x3FFB];
	_ =	sdelay $0x3  }
0x92: {  	_ =	strace s18  }
0x93: {  	s3 =	sld [smem:$0x3FFC];
	_ =	sdelay $0x3  }
0x94: {  	_ =	strace s3  }
0x95: {  	s3 =	sld [smem:$0x3FFD];
	_ =	sdelay $0x3  }
0x96: {  	_ =	strace s3  }
0x97: {  	_ =	strace $0x8FFFFFFF  }
0x98: {  	s19 =	sld [smem:$0x3FDB];
	_ =	sdelay $0x1  }
0x99: {  	s4 =	simm.s32 $_scs_section_size  }
0x9a: {  	s5 =	simm.s32 $_size__tile_overlayer_lowered;
	s6 =	simm.s32 $_tile_overlayer_lowered  }
0x9b: {  	s22 =	simm.s32 $0x1BFF;
	s21 =	sshll.u32 s6, $0x1;
	s3 =	sadd.s32 s4, s19  }
0x9c: {  	s7 =	simm.s32 $0x0;
	s20 =	sshll.u32 s5, $0x1;
	s5 =	sadd.s32 s21, s3  }
0x9d: {  	[timem:s7], [sflag:s22] =	dma.local [hbm:s5], s20  }
0x9e: {  	_ =	swait.ge [sflag:s22], s20  }
0x9f: {  	s4 =	ssub.s32 $0x0, s20;
	[sflag:s22] =	ssyncset.done $0x0  }
0xa0: {  	[sflag:s22] =	ssyncadd.s32 s4;
	_ =	sdelay $0x1  }
0xa1: {  	s23 =	simm.s32 $0x1B8B  }
0xa2: {  	_ =	swait.ge [sflag:s23], $0x1  }
0xa3: {  	[sflag:s23] =	ssyncset.done $0x0  }
0xa4: {  	s25 =	simm.s32 $0x1B8E;
	s24 =	sld [smem:$0x3FFE];
	[sflag:s23] =	ssyncadd.s32 $0xFFFFFFFF  }
0xa5: {  	s26 =	simm.s32 $execute0_lowered;
	[smem:$0x3FD2] =	sst s25  }
0xa6: {  	s5 =	sshll.u32 s26, $0x1;
	_ =	strace $0x80000046;
	[dreg:$0x1] =	wrdreg $0xFFFFFFFF  }
0xa7: {  	s28 =	simm.s32 $_size_execute0_lowered;
	s3 =	sadd.s32 s3, s5;
	[dreg:$0x0] =	wrdreg $0x0  }
0xa8: {  	s5 =	sshll.u32 s28, $0x1;
	[dreg:$0x2] =	wrdreg s3  }
0xa9: {  	[dreg:$0x3] =	wrdreg s5  }
0xaa: {  	[dreg:$0x4] =	wrdreg $0xC0  }
0xab: {  	_ =	task [dreg:s7], $0x5FFFF  }
0xac: {  	[dreg:$0x1] =	wrdreg $0xFFFFFFFF  }
0xad: {  	[dreg:$0x0] =	wrdreg $0x60  }
0xae: {  	[dreg:$0x2] =	wrdreg s24  }
0xaf: {  	[dreg:$0x3] =	wrdreg s2  }
0xb0: {  	[dreg:$0x4] =	wrdreg $0x9  }
0xb1: {  	_ =	task.clear_ibuf [dreg:s7], $0x5FFFF;
	_ =	strace $0x90000046  }
0xb2: {  	s29 =	simm.s32 $0x9;
	_ =	strace $0x80000048  }
0xb3: {  	_ =	swait.ge [sflag:s29], $0x1  }
0xb4: {  	[sflag:s29] =	ssyncadd.s32 $0xFFFFFFFF  }
0xb5: {  	_ =	strace $0x90000048  }
0xb6: {  	_ =	sfence  }
0xb7: {  	s30 =	sld [smem:$0x0];
	_ =	sdelay $0x2  }
0xb8: {  	s31 =	sshll.u32 s1, $0xD;
	s1 =	sshrl.u32 s1, $0x2  }
0xb9: {  	s3 =	sand.u32 $0x4000, s31;
	s1 =	sadd.s32 s1, s30  }
0xba: {  	s0 =	sor.u32 s3, s0;
	s1 =	sshll.u32 s1, $0x11  }
0xbb: {  	s0 =	sor.u32 s1, s0  }
0xbc: {  	s0 =	sadd.s32 $0x8F2B, s0  }
0xbd: {  	[sflag:s0] =	ssyncadd.remote.s32 $0x1  }
0xbe: {  	_ =	sfence.sel $0xFFFF  }
0xbf: {  	[dreg:$0x0] =	wrdreg $0xFFFFFFFF;
	(pc) =	sbr.abs _section_cstart, $3  }
0xc0: {  	[dreg:$0x1] =	wrdreg $0xFFFFFFFF  }
0xc1: {  	_ =	task.clear_ibuf [dreg:s7], $0x2FFFF;
	_ =	strace $0x9FFFFFFF  }
0xc2: {  	(tm) =	ssettm $0x7FFFFFFF  }
0xc3: {  	_ =	shalt  }
tec
execute0_lowered:
.L_overlay_start_1:
0x0: {  	(tag) =	ssettag $0x1  }
0x1: {  	s5 =	rddreg [dreg:$0x0]  }
0x2: {  	s1 =	rddreg [dreg:$0x1]  }
0x3: {  	s0 =	rddreg [dreg:$0x2];
	s2 =	simm.s32 $0x0;
	s3 =	srdreg.scid  }
0x4: {  	s10 =	simm.s32 $0x1;
	s11 =	simm.s32 $0x0;
	[smem:$0x7FF] =	sst s2  }
.Ltmp0:
0x5: {  	s6 =	sand.u32 $0x1, s3;
	s3 =	stileid.u32;
	(pc) =	sbr.rel .LBB2_1-.Ltmp0, $4  }
0x6: {  	s4 =	sadd.s32 $0xA00, s5;
	s5 =	sadd.s32 $0xF42E00, s5;
	s7 =	ssub.s32 $0x2, s6  }
0x7: {  	_ =	strace $0x80000047;
	s9 =	sshll.u32 s3, $0x1;
	s8 =	sshrl.u32 s7, $0x1  }
0x8: {  	v1 =	vlaneseq.u32;
	s6 =	sor.u32 s6, s9;
	s9 =	simm.s32 $0x200;
	s7 =	ssub.s32 s7, s8  }
0x9: {  	v0 =	vimm.f32 $0.0e+00;
	v1 =	vmul.u32 $0x40, v1;
	s6 =	smul.u32 $0x6400, s6;
	s8 =	simm.s32 $0x2;
	s7 =	smax.u32 s7, $0x1  }
.LBB2_7:
0xa: {  	s11 =	sadd.s32 $0x1, s11  }
0xb: {  	p0 =	sne.s32 s11, s7  }
.Ltmp1:
0xc: {  	_ = 	snop;
	(pc) =	sbr.rel @!p0 .LBB2_8-.Ltmp1, $1  }
0xd: {  	_ =	sdelay $0x3  }
.LBB2_1:
.Ltmp2:
0xe: {  	(pc) =	sbr.rel .LBB2_2-.Ltmp2, $2  }
0xf: {  	_ =	sdelay $0x2  }
0x10: {  	s12 =	simm.s32 $0x0  }
.LBB2_6:
0x11: {  	s12 =	sadd.s32 $0x1, s12  }
0x12: {  	s13 =	sshll.u32 s13, $0x3;
	p0 =	sne.s32 s12, $0x32  }
.Ltmp3:
0x13: {  	s13 =	sadd.s32 s1, s13;
	(pc) =	sbr.rel @!p0 .LBB2_7-.Ltmp3, $4  }
0x14: {  	[hbm4b:s13+s2] =	stream.linear.scatter [tilespmem:s9], [sflag:$0x2], $0x8000, $0x38;
	[tilespmem:$0x8200] =	vst v63  }
0x15: {  	_ =	swait.ge [sflag:s8], $0x8000  }
0x16: {  	[sflag:s8] =	ssyncset.done $0x0  }
0x17: {  	[sflag:s8] =	ssyncadd.s32 $0xFFFF8000  }
.LBB2_2:
0x18: {  	s13 =	sshll.u32 s12, $0x9  }
0x19: {  	s13 =	sadd.s32 s6, s13  }
0x1a: {  	s14 =	sshrl.u32 s13, $0x3  }
0x1b: {  	s15 =	sadd.s32 s4, s14;
	s14 =	simm.s32 $0x0  }
0x1c: {  	[tilespmem:s14], [sflag:$0x2] =	stream.linear.gather [hbm4b:s15+s14], $0x200, $0x38;
	[tilespmem:$0x8200] =	vst v63  }
0x1d: {  	_ =	swait.ge [sflag:s8], $0x200  }
0x1e: {  	[sflag:s8] =	ssyncset.done $0x0  }
.Ltmp4:
0x1f: {  	[sflag:s8] =	ssyncadd.s32 $0xFFFFFE00;
	(pc) =	sbr.rel .LBB2_3-.Ltmp4, $4  }
0x20: {  	[tilespmem:s9], [sflag:$0x1] =	stream.indirect.gather [hbm4b:s5+s9], $0x40, s14, s9, $0xb8;
	[tilespmem:$0x8200] =	vst v63  }
0x21: {  	_ =	swait.ge [sflag:s10], $0x8000  }
0x22: {  	[sflag:s10] =	ssyncset.done $0x0  }
0x23: {  	s15 =	simm.s32 $0x0;
	[sflag:s10] =	ssyncadd.s32 $0xFFFF8000  }
.LBB2_5:
0x24: {  	s15 =	sadd.s32 $0x10, s15  }
0x25: {  	p0 =	sne.s32 s15, $0x200  }
.Ltmp5:
0x26: {  	_ = 	snop;
	(pc) =	sbr.rel @!p0 .LBB2_6-.Ltmp5, $2  }
0x27: {  	_ =	sdelay $0x2  }
0x28: {  	s14 =	sadd.s32 $0x10, s14  }
.LBB2_3:
0x29: {  	v2 =	vld [tilespmem:s14+$0x0];
	_ =	sdelay $0x4  }
0x2a: {  	vm0 =	veq.s32 v2, $0x0  }
0x2b: {  	v2 =	vsel vm0, $0x3F800000, v0  }
0x2c: {  	(xrf0) =	vmax.scan.msk.f32 $0xffff, v2;
	_ =	sdelay $0x5  }
0x2d: {  	v2, _, _ =	vpop (xrf0)  }
0x2e: {  	(v2sf) =	vpush v2, $0xF;
	_ =	sdelay $0xe  }
0x2f: {  	s16 =	spop (v2sf)  }
0x30: {  	p0 =	sgt.f32 s16, $0.0e+00  }
.Ltmp6:
0x31: {  	_ = 	snop;
	(pc) =	sbr.rel @!p0 .LBB2_5-.Ltmp6, $1  }
0x32: {  	_ =	sdelay $0x3  }
0x33: {  	v2 =	vmov s15  }
0x34: {  	v2 =	vshll.u32 v2, $0x6  }
0x35: {  	v2 =	vor.u32 v1, v2  }
0x36: {  	v3 =	vor.u32 $0x1, v2  }
0x37: {  	v4 =	vor.u32 $0x2, v2  }
0x38: {  	v5 =	vor.u32 $0x3, v2  }
0x39: {  	v6 =	vor.u32 $0x4, v2  }
0x3a: {  	v7 =	vor.u32 $0x5, v2;
	[tilespmem:v2+s9+$0x0] =	vst.idx.msk vm0, v0  }
0x3b: {  	[tilespmem:v3+s9+$0x0] =	vst.idx.msk vm0, v0;
	v3 =	vor.u32 $0x6, v2  }
0x3c: {  	v19 =	vor.u32 $0x7, v2;
	[tilespmem:v4+s9+$0x0] =	vst.idx.msk vm0, v0  }
0x3d: {  	v20 =	vor.u32 $0x8, v2;
	[tilespmem:v5+s9+$0x0] =	vst.idx.msk vm0, v0  }
0x3e: {  	v21 =	vor.u32 $0x9, v2;
	[tilespmem:v6+s9+$0x0] =	vst.idx.msk vm0, v0  }
0x3f: {  	v22 =	vor.u32 $0xA, v2;
	[tilespmem:v7+s9+$0x0] =	vst.idx.msk vm0, v0  }
0x40: {  	[tilespmem:v3+s9+$0x0] =	vst.idx.msk vm0, v0;
	v3 =	vor.u32 $0xB, v2  }
0x41: {  	v23 =	vor.u32 $0xC, v2;
	[tilespmem:v19+s9+$0x0] =	vst.idx.msk vm0, v0  }
0x42: {  	v24 =	vor.u32 $0xD, v2;
	[tilespmem:v20+s9+$0x0] =	vst.idx.msk vm0, v0  }
0x43: {  	v25 =	vor.u32 $0xE, v2;
	[tilespmem:v21+s9+$0x0] =	vst.idx.msk vm0, v0  }
0x44: {  	v26 =	vor.u32 $0xF, v2;
	[tilespmem:v22+s9+$0x0] =	vst.idx.msk vm0, v0  }
0x45: {  	[tilespmem:v3+s9+$0x0] =	vst.idx.msk vm0, v0;
	v3 =	vor.u32 $0x10, v2  }
0x46: {  	v27 =	vor.u32 $0x11, v2;
	[tilespmem:v23+s9+$0x0] =	vst.idx.msk vm0, v0  }
0x47: {  	v28 =	vor.u32 $0x12, v2;
	[tilespmem:v24+s9+$0x0] =	vst.idx.msk vm0, v0  }
0x48: {  	v29 =	vor.u32 $0x13, v2;
	[tilespmem:v25+s9+$0x0] =	vst.idx.msk vm0, v0  }
0x49: {  	v30 =	vor.u32 $0x14, v2;
	[tilespmem:v26+s9+$0x0] =	vst.idx.msk vm0, v0  }
0x4a: {  	[tilespmem:v3+s9+$0x0] =	vst.idx.msk vm0, v0;
	v3 =	vor.u32 $0x15, v2  }
0x4b: {  	v31 =	vor.u32 $0x16, v2;
	[tilespmem:v27+s9+$0x0] =	vst.idx.msk vm0, v0  }
0x4c: {  	v32 =	vor.u32 $0x17, v2;
	[tilespmem:v28+s9+$0x0] =	vst.idx.msk vm0, v0  }
0x4d: {  	v33 =	vor.u32 $0x18, v2;
	[tilespmem:v29+s9+$0x0] =	vst.idx.msk vm0, v0  }
0x4e: {  	v34 =	vor.u32 $0x19, v2;
	[tilespmem:v30+s9+$0x0] =	vst.idx.msk vm0, v0  }
0x4f: {  	[tilespmem:v3+s9+$0x0] =	vst.idx.msk vm0, v0;
	v3 =	vor.u32 $0x1A, v2  }
0x50: {  	v35 =	vor.u32 $0x1B, v2;
	[tilespmem:v31+s9+$0x0] =	vst.idx.msk vm0, v0  }
0x51: {  	v36 =	vor.u32 $0x1C, v2;
	[tilespmem:v32+s9+$0x0] =	vst.idx.msk vm0, v0  }
0x52: {  	v37 =	vor.u32 $0x1D, v2;
	[tilespmem:v33+s9+$0x0] =	vst.idx.msk vm0, v0  }
0x53: {  	v38 =	vor.u32 $0x1E, v2;
	[tilespmem:v34+s9+$0x0] =	vst.idx.msk vm0, v0  }
0x54: {  	[tilespmem:v3+s9+$0x0] =	vst.idx.msk vm0, v0;
	v3 =	vor.u32 $0x1F, v2  }
0x55: {  	v39 =	vor.u32 $0x20, v2;
	[tilespmem:v35+s9+$0x0] =	vst.idx.msk vm0, v0  }
0x56: {  	v40 =	vor.u32 $0x21, v2;
	[tilespmem:v36+s9+$0x0] =	vst.idx.msk vm0, v0  }
0x57: {  	v41 =	vor.u32 $0x22, v2;
	[tilespmem:v37+s9+$0x0] =	vst.idx.msk vm0, v0  }
0x58: {  	v42 =	vor.u32 $0x23, v2;
	[tilespmem:v38+s9+$0x0] =	vst.idx.msk vm0, v0  }
0x59: {  	[tilespmem:v3+s9+$0x0] =	vst.idx.msk vm0, v0;
	v3 =	vor.u32 $0x24, v2  }
0x5a: {  	v43 =	vor.u32 $0x25, v2;
	[tilespmem:v39+s9+$0x0] =	vst.idx.msk vm0, v0  }
0x5b: {  	v44 =	vor.u32 $0x26, v2;
	[tilespmem:v40+s9+$0x0] =	vst.idx.msk vm0, v0  }
0x5c: {  	v45 =	vor.u32 $0x27, v2;
	[tilespmem:v41+s9+$0x0] =	vst.idx.msk vm0, v0  }
0x5d: {  	v46 =	vor.u32 $0x28, v2;
	[tilespmem:v42+s9+$0x0] =	vst.idx.msk vm0, v0  }
0x5e: {  	[tilespmem:v3+s9+$0x0] =	vst.idx.msk vm0, v0;
	v3 =	vor.u32 $0x29, v2  }
0x5f: {  	v47 =	vor.u32 $0x2A, v2;
	[tilespmem:v43+s9+$0x0] =	vst.idx.msk vm0, v0  }
0x60: {  	v48 =	vor.u32 $0x2B, v2;
	[tilespmem:v44+s9+$0x0] =	vst.idx.msk vm0, v0  }
0x61: {  	v49 =	vor.u32 $0x2C, v2;
	[tilespmem:v45+s9+$0x0] =	vst.idx.msk vm0, v0  }
0x62: {  	v50 =	vor.u32 $0x2D, v2;
	[tilespmem:v46+s9+$0x0] =	vst.idx.msk vm0, v0  }
0x63: {  	[tilespmem:v3+s9+$0x0] =	vst.idx.msk vm0, v0;
	v3 =	vor.u32 $0x2E, v2  }
0x64: {  	v51 =	vor.u32 $0x2F, v2;
	[tilespmem:v47+s9+$0x0] =	vst.idx.msk vm0, v0  }
0x65: {  	v52 =	vor.u32 $0x30, v2;
	[tilespmem:v48+s9+$0x0] =	vst.idx.msk vm0, v0  }
0x66: {  	v53 =	vor.u32 $0x31, v2;
	[tilespmem:v49+s9+$0x0] =	vst.idx.msk vm0, v0  }
0x67: {  	v54 =	vor.u32 $0x32, v2;
	[tilespmem:v50+s9+$0x0] =	vst.idx.msk vm0, v0  }
0x68: {  	[tilespmem:v3+s9+$0x0] =	vst.idx.msk vm0, v0;
	v3 =	vor.u32 $0x33, v2  }
0x69: {  	v55 =	vor.u32 $0x34, v2;
	[tilespmem:v51+s9+$0x0] =	vst.idx.msk vm0, v0  }
0x6a: {  	v56 =	vor.u32 $0x35, v2;
	[tilespmem:v52+s9+$0x0] =	vst.idx.msk vm0, v0  }
0x6b: {  	v57 =	vor.u32 $0x36, v2;
	[tilespmem:v53+s9+$0x0] =	vst.idx.msk vm0, v0  }
0x6c: {  	v58 =	vor.u32 $0x37, v2;
	[tilespmem:v54+s9+$0x0] =	vst.idx.msk vm0, v0  }
0x6d: {  	[tilespmem:v3+s9+$0x0] =	vst.idx.msk vm0, v0;
	v3 =	vor.u32 $0x38, v2  }
0x6e: {  	v59 =	vor.u32 $0x39, v2;
	[tilespmem:v55+s9+$0x0] =	vst.idx.msk vm0, v0  }
0x6f: {  	v60 =	vor.u32 $0x3A, v2;
	[tilespmem:v56+s9+$0x0] =	vst.idx.msk vm0, v0  }
0x70: {  	v61 =	vor.u32 $0x3B, v2;
	[tilespmem:v57+s9+$0x0] =	vst.idx.msk vm0, v0  }
0x71: {  	v62 =	vor.u32 $0x3C, v2;
	[tilespmem:v58+s9+$0x0] =	vst.idx.msk vm0, v0  }
0x72: {  	[tilespmem:v3+s9+$0x0] =	vst.idx.msk vm0, v0;
	v3 =	vor.u32 $0x3D, v2  }
0x73: {  	v63 =	vor.u32 $0x3E, v2;
	[tilespmem:v59+s9+$0x0] =	vst.idx.msk vm0, v0  }
0x74: {  	v2 =	vor.u32 $0x3F, v2;
	[tilespmem:v60+s9+$0x0] =	vst.idx.msk vm0, v0  }
.Ltmp7:
0x75: {  	[tilespmem:v61+s9+$0x0] =	vst.idx.msk vm0, v0;
	(pc) =	sbr.rel .LBB2_5-.Ltmp7, $4  }
0x76: {  	[tilespmem:v62+s9+$0x0] =	vst.idx.msk vm0, v0  }
0x77: {  	[tilespmem:v3+s9+$0x0] =	vst.idx.msk vm0, v0  }
0x78: {  	[tilespmem:v63+s9+$0x0] =	vst.idx.msk vm0, v0  }
0x79: {  	[tilespmem:v2+s9+$0x0] =	vst.idx.msk vm0, v0  }
.LBB2_8:
0x7a: {  	_ =	sfence.sel $0x180000  }
0x7b: {  	[bflag:$0x0] =	sbarrier.arrive $0xFFFF  }
0x7c: {  	p0 =	sne.s32 s3, $0x0;
	_ =	strace $0x90000047  }
0x7d: {  	s0 =	sadd.s32 @!p0 $0x100000, s0;
	[bflag:$0x2] =	sbarrier.arrive $0xFFFF  }
0x7e: {  	[sflag:s0] =	ssyncadd.tile.s32 @!p0 $0x1;
	_ =	shalt  }
.Lfunc_end2:
_tile_overlayer_lowered:
.L_overlay_start_2:
0x7f: {  	(tag) =	ssettag $0x2  }
0x80: {  	s0 =	rddreg [dreg:$0x0];
	s2 =	stileid.u32  }
0x81: {  	s1 =	rddreg [dreg:$0x1];
	p0 =	sne.s32 s2, $0x0  }
0x82: {  	s3 =	rddreg [dreg:$0x2];
	[bflag:$0x3] =	sbarrier.arrive $0xFFFF;
	s2 =	simm.s32 @!p0 $0x1C02  }
0x83: {  	[timem:s3], [sflag:s2] =	dma.local @!p0 [hbm:s0], s1  }
0x84: {  	s0 =	simm.s32 @!p0 $0x2  }
0x85: {  	_ =	swait.ge @!p0 [sflag:s0], s1  }
0x86: {  	s1 =	ssub.s32 @!p0 $0x0, s1;
	[sflag:s0] =	ssyncset.done @!p0 $0x0  }
0x87: {  	[sflag:s0] =	ssyncadd.s32 @!p0 s1  }
0x88: {  	[bflag:$0x3] =	sbarrier.arrive $0xFFFF  }
0x89: {  	_ =	shalt  }

// kernel: sparse-core-data-format-call.cloned.1.call-start
scs
called_computation_lowered:
.L_overlay_start_0:
0x0: {  	s2 =	sld [smem:$0x3FD9]  }
0x1: {  	s3 =	sld [smem:$0x3FFE];
	_ =	sdelay $0x1  }
0x2: {  	s1 =	srdreg.scid  }
0x3: {  	s0 =	sand.u32 $0x1, s1  }
0x4: {  	s18 =	sshll.u32 s0, $0xA;
	s2 =	sadd.s32 s3, s2  }
0x5: {  	s2 =	sadd.s32 s2, s18  }
0x6: {  	[smem:$0x3FC6] =	sst s2  }
0x7: {  	_ = 	snop  }
0x8: {  	s2 =	sld [smem:$0x3FD0];
	(tm) =	ssettm $0x1  }
0x9: {  	s19 =	sld [smem:$0x3FFB];
	_ =	sdelay $0x3  }
0xa: {  	_ =	strace s19  }
0xb: {  	s3 =	sld [smem:$0x3FFC];
	_ =	sdelay $0x3  }
0xc: {  	_ =	strace s3  }
0xd: {  	s3 =	sld [smem:$0x3FFD];
	_ =	sdelay $0x3  }
0xe: {  	_ =	strace s3  }
0xf: {  	_ =	strace $0x8FFFFFFF  }
0x10: {  	s20 =	sld [smem:$0x3FDB];
	_ =	sdelay $0x1  }
0x11: {  	s4 =	simm.s32 $_scs_section_size  }
0x12: {  	s5 =	simm.s32 $_size__tile_overlayer_lowered;
	s6 =	simm.s32 $_tile_overlayer_lowered  }
0x13: {  	s23 =	simm.s32 $0x1BFF;
	s22 =	sshll.u32 s6, $0x1;
	s3 =	sadd.s32 s4, s20  }
0x14: {  	s7 =	simm.s32 $0x0;
	s21 =	sshll.u32 s5, $0x1;
	s5 =	sadd.s32 s22, s3  }
0x15: {  	[timem:s7], [sflag:s23] =	dma.local [hbm:s5], s21  }
0x16: {  	_ =	swait.ge [sflag:s23], s21  }
0x17: {  	s4 =	ssub.s32 $0x0, s21;
	[sflag:s23] =	ssyncset.done $0x0  }
0x18: {  	[sflag:s23] =	ssyncadd.s32 s4;
	_ =	sdelay $0x1  }
0x19: {  	s24 =	simm.s32 $0x1B8B  }
0x1a: {  	_ =	swait.ge [sflag:s24], $0x1  }
0x1b: {  	[sflag:s24] =	ssyncset.done $0x0  }
0x1c: {  	s26 =	simm.s32 $0x1B8E;
	s25 =	sld [smem:$0x3FFE];
	[sflag:s24] =	ssyncadd.s32 $0xFFFFFFFF  }
0x1d: {  	s27 =	simm.s32 $execute0_lowered;
	[smem:$0x3FD2] =	sst s26  }
0x1e: {  	s5 =	sshll.u32 s27, $0x1;
	_ =	strace $0x80000049;
	[dreg:$0x1] =	wrdreg $0xFFFFFFFF  }
0x1f: {  	s28 =	simm.s32 $_size_execute0_lowered;
	s3 =	sadd.s32 s3, s5;
	[dreg:$0x0] =	wrdreg $0x0  }
0x20: {  	s5 =	sshll.u32 s28, $0x1;
	[dreg:$0x2] =	wrdreg s3  }
0x21: {  	[dreg:$0x3] =	wrdreg s5  }
0x22: {  	[dreg:$0x4] =	wrdreg $0xC0  }
0x23: {  	_ =	task [dreg:s7], $0x5FFFF  }
0x24: {  	[dreg:$0x1] =	wrdreg $0xFFFFFFFF  }
0x25: {  	[dreg:$0x0] =	wrdreg $0x60  }
0x26: {  	[dreg:$0x2] =	wrdreg s25  }
0x27: {  	[dreg:$0x3] =	wrdreg s2  }
0x28: {  	[dreg:$0x4] =	wrdreg $0x9  }
0x29: {  	_ =	task.clear_ibuf [dreg:s7], $0x5FFFF;
	_ =	strace $0x90000049  }
0x2a: {  	s29 =	simm.s32 $0x9;
	_ =	strace $0x8000004B  }
0x2b: {  	_ =	swait.ge [sflag:s29], $0x1  }
0x2c: {  	[sflag:s29] =	ssyncadd.s32 $0xFFFFFFFF  }
0x2d: {  	_ =	strace $0x9000004B  }
0x2e: {  	_ =	sfence  }
0x2f: {  	s30 =	sld [smem:$0x0];
	_ =	sdelay $0x2  }
0x30: {  	s31 =	sshll.u32 s1, $0xD;
	s1 =	sshrl.u32 s1, $0x2  }
0x31: {  	s3 =	sand.u32 $0x4000, s31;
	s1 =	sadd.s32 s1, s30  }
0x32: {  	s0 =	sor.u32 s3, s0;
	s1 =	sshll.u32 s1, $0x11  }
0x33: {  	s0 =	sor.u32 s1, s0  }
0x34: {  	s0 =	sadd.s32 $0x8F2B, s0  }
0x35: {  	[sflag:s0] =	ssyncadd.remote.s32 $0x1  }
0x36: {  	_ =	sfence.sel $0xFFFF  }
0x37: {  	[dreg:$0x0] =	wrdreg $0xFFFFFFFF;
	(pc) =	sbr.abs _section_cstart, $3  }
0x38: {  	[dreg:$0x1] =	wrdreg $0xFFFFFFFF  }
0x39: {  	_ =	task.clear_ibuf [dreg:s7], $0x2FFFF;
	_ =	strace $0x9FFFFFFF  }
0x3a: {  	(tm) =	ssettm $0x7FFFFFFF  }
0x3b: {  	_ =	shalt  }
tec
execute0_lowered:
.L_overlay_start_1:
0x0: {  	(tag) =	ssettag $0x1  }
0x1: {  	s0 =	srdreg.scid  }
0x2: {  	s1 =	sshll.u32 s0, $0x4  }
0x3: {  	s0 =	stileid.u32;
	s1 =	sand.u32 $0x10, s1  }
0x4: {  	s1 =	sor.u32 s0, s1  }
0x5: {  	s6 =	rddreg [dreg:$0x0];
	s4 =	simm.s32 $0x1;
	s2 =	sshll.u32 s1, $0x7  }
0x6: {  	s7 =	simm.s32 $0x2;
	s12 =	simm.s32 $0x0;
	s1 =	ssub.s32 $0x1000, s2  }
0x7: {  	s8 =	simm.s32 $0x8000;
	s13 =	simm.s32 $0x0;
	s3 =	sand.u32 $0xF80, s1  }
0x8: {  	s9 =	simm.s32 $0x0;
	s5 =	sshrl.u32 s1, $0xC;
	p0 =	sne.s32 s3, $0x0  }
.Ltmp0:
0x9: {  	s1 =	rddreg [dreg:$0x2];
	s4 =	simm.s32 @!p0 $0x0;
	(pc) =	sbr.rel .LBB1_1-.Ltmp0, $4  }
0xa: {  	s11 =	simm.s32 $0x0;
	s3 =	rddreg [dreg:$0x1];
	s5 =	sadd.s32 s4, s5  }
0xb: {  	_ =	strace $0x8000004A;
	s4 =	simm.s32 $0x1;
	s5 =	smul.u32 $0xC8, s5  }
0xc: {  	s6 =	sadd.s32 $0xA00, s6;
	s10 =	smov.u32 s2;
	[sflag:s4] =	ssyncpa.u1 $0x0  }
0xd: {  	p0 =	por $0x0, $0x0;
	[sflag:s7] =	ssyncpa.u1 $0x0;
	s7 =	sor.u32 $0x1, s5  }
.LBB1_4:
0xe: {  	s16 =	sshll.u32 s13, $0x3;
	s17 =	sand.u32 $0x78, s13  }
0xf: {  	s30 =	sand.u32 $0x7E00, s13;
	s12 =	sshll.u32 s12, $0xF;
	s16 =	sand.u32 $0xC00, s16  }
0x10: {  	[tilespmem:s15+$0x810 ss:$0x81] =	vst.msk $0xffff, v2;
	s31 =	sand.u32 $0x7, s13;
	s16 =	sor.u32 s17, s16;
	s17 =	sadd.s32 s3, s30  }
0x11: {  	[tilespmem:s15+$0x1020 ss:$0x81] =	vst.msk $0xffff, v0;
	s13 =	sshll.u32 s31, $0x12;
	s12 =	sadd.s32 s12, s17;
	s16 =	sshrl.u32 s16, $0x3  }
0x12: {  	[tilespmem:s15+$0x0 ss:$0x81] =	vst.msk $0xffff, v1;
	s13 =	sor.u32 $0x400, s13;
	s12 =	sadd.s32 s16, s12  }
0x13: {  	[hbm4b:s12+s13] =	stream.strided.scatter [tilespmem:s14], [sflag:$0x2], $0x2000, s8, s13, $0x20;
	[tilespmem:$0x8080] =	vst v63  }
.LBB1_5:
0x14: {  	s14 =	sadd.s32 $0x1, s9  }
0x15: {  	s12 =	sadd.s32 $0x1000, s10;
	s16 =	smov.u32 s10;
	p2 =	sgt.s32 s14, $0xC7  }
0x16: {  	s16 =	smov.u32 @p2 s12  }
0x17: {  	s14 =	simm.s32 @p2 $0x0;
	p2 =	sgt.s32 s16, $0xFFF  }
0x18: {  	s16 =	smov.u32 @p2 s2;
	p2 =	sne.s32 s11, s7  }
.Ltmp1:
0x19: {  	p1 =	slt.u32 s11, $0x2;
	(pc) =	sbr.rel @!p2 .LBB1_6-.Ltmp1, $4  }
0x1a: {  	s15 =	simm.s32 @!p1 $0x2  }
0x1b: {  	s13 =	smov.u32 s10;
	p0 =	por !p0, !p0;
	_ =	swait.ge @!p1 [sflag:s15], $0x2000  }
0x1c: {  	s12 =	smov.u32 s9;
	[sflag:s15] =	ssyncset.done @!p1 $0x0;
	s9 =	smov.u32 s14  }
0x1d: {  	s11 =	sadd.s32 $0x1, s11;
	[sflag:s15] =	ssyncadd.s32 @!p1 $0xFFFFE000;
	s10 =	smov.u32 s16  }
.LBB1_1:
0x1e: {  	p1 =	sge.u32 s11, s5  }
0x1f: {  	s14 =	sand.u32 @!p1 $0x1FFFFFF, s9  }
0x20: {  	s15 =	smulhi.u32 @!p1 $0x147AE15, s14;
	_ =	sdelay $0x1  }
0x21: {  	s15 =	smul.u32 @!p1 $0xC8, s15  }
0x22: {  	s16 =	sxor.u32 @!p1 $0xFFFFFFFF, s11;
	s17 =	smul.u32 @!p1 $0xC80, s10  }
0x23: {  	s31 =	sadd.s32 $0xFFFFFFFF, s11;
	s16 =	sshll.u32 @!p1 s16, $0xD;
	s14 =	ssub.s32 @!p1 s14, s15  }
0x24: {  	s15 =	sand.u32 @!p1 $0x2000, s16;
	s16 =	sadd.s32 @!p1 s6, s17;
	s14 =	sshll.u32 @!p1 s14, $0x4  }
0x25: {  	s17 =	simm.s32 @!p1 $0x6400;
	s14 =	sadd.s32 @!p1 s14, s16;
	s16 =	simm.s32 @!p1 $0x40  }
0x26: {  	[tilespmem:s15], [sflag:$0x1] =	stream.strided.gather @!p1 [hbm4b:s14+s16], $0x2000, s17, s16, $0x38;
	[tilespmem:$0x8080] =	vst v63  }
0x27: {  	p1 =	sge.u32 s31, s5  }
.Ltmp2:
0x28: {  	_ = 	snop;
	(pc) =	sbr.rel @p1 .LBB1_5-.Ltmp2, $1  }
0x29: {  	_ =	sdelay $0x3  }
0x2a: {  	s14 =	simm.s32 $0x1  }
0x2b: {  	_ =	swait.ge [sflag:s4], $0x2000;
	s14 =	simm.s32 @!p0 $0x0  }
0x2c: {  	[sflag:s4] =	ssyncset.done $0x0;
	s15 =	sshll.u32 s14, $0xD  }
0x2d: {  	[sflag:s4] =	ssyncadd.s32 $0xFFFFE000;
	s18 =	sor.u32 $0x20, s15  }
0x2e: {  	s14 =	smul.u32 $0x8100, s14;
	v3 =	vld [tilespmem:s18+$0x10]  }
0x2f: {  	s30 =	sand.u32 $0x1, s11;
	v2 =	vld [tilespmem:s18+$0xFFFFFFF0]  }
0x30: {  	s15 =	smul.u32 $0x8100, s30;
	s14 =	sshrl.u32 s14, $0x2;
	v0 =	vld [tilespmem:s18+$0x0]  }
0x31: {  	v1 =	vld [tilespmem:s18+$0xFFFFFFE0];
	s16 =	sor.u32 $0x4000, s14  }
0x32: {  	s31 =	sshrl.u32 s15, $0x2;
	s15 =	sadd.s32 $0x0, s16  }
0x33: {  	s17 =	simm.s32 $0x4;
	s18 =	sadd.s32 $0x40, s18;
	s14 =	sor.u32 $0x4000, s31;
	[tilespmem:s15+$0x1830 ss:$0x81] =	vst.msk $0xffff, v3  }
.LBB1_3:
0x34: {  	v3 =	vld [tilespmem:s18+$0x10];
	p1 =	sne.s32 s17, $0x1FC;
	[tilespmem:s15+$0x810 ss:$0x81] =	vst.msk $0xffff, v2;
	s19 =	smov.u32 s17;
	s17 =	sadd.s32 $0x4, s17  }
.Ltmp3:
0x35: {  	v2 =	vld [tilespmem:s18+$0xFFFFFFF0];
	[tilespmem:s15+$0x1020 ss:$0x81] =	vst.msk $0xffff, v0;
	(pc) =	sbr.rel @p1 .LBB1_3-.Ltmp3, $4  }
0x36: {  	v0 =	vld [tilespmem:s18+$0x0];
	[tilespmem:s15+$0x0 ss:$0x81] =	vst.msk $0xffff, v1  }
0x37: {  	s15 =	sshra.s32 s19, $0x2;
	v1 =	vld [tilespmem:s18+$0xFFFFFFE0]  }
0x38: {  	s15 =	sadd.s32 s15, s16  }
0x39: {  	s18 =	sadd.s32 $0x40, s18;
	[tilespmem:s15+$0x1830 ss:$0x81] =	vst.msk $0xffff, v3  }
.Ltmp4:
0x3a: {  	_ = 	snop;
	(pc) =	sbr.rel .LBB1_4-.Ltmp4, $1  }
0x3b: {  	_ =	sdelay $0x3  }
.LBB1_6:
0x3c: {  	_ =	sfence.sel $0x180000  }
0x3d: {  	s2 =	simm.s32 $0x1;
	[bflag:$0x0] =	sbarrier.arrive $0xFFFF  }
0x3e: {  	s31 =	simm.s32 $0x2;
	[sflag:s2] =	ssyncpa.u1 $0x1  }
0x3f: {  	[sflag:s31] =	ssyncpa.u1 $0x1  }
0x40: {  	p0 =	sne.s32 s0, $0x0;
	_ =	strace $0x9000004A  }
0x41: {  	s0 =	sadd.s32 @!p0 $0x100000, s1;
	[bflag:$0x2] =	sbarrier.arrive $0xFFFF  }
0x42: {  	[sflag:s0] =	ssyncadd.tile.s32 @!p0 $0x1;
	_ =	shalt  }
.Lfunc_end1:
_tile_overlayer_lowered:
.L_overlay_start_2:
0x43: {  	(tag) =	ssettag $0x2  }
0x44: {  	s0 =	rddreg [dreg:$0x0];
	s2 =	stileid.u32  }
0x45: {  	s1 =	rddreg [dreg:$0x1];
	p0 =	sne.s32 s2, $0x0  }
0x46: {  	s3 =	rddreg [dreg:$0x2];
	[bflag:$0x3] =	sbarrier.arrive $0xFFFF;
	s2 =	simm.s32 @!p0 $0x1C01  }
0x47: {  	[timem:s3], [sflag:s2] =	dma.local @!p0 [hbm:s0], s1  }
0x48: {  	s0 =	simm.s32 @!p0 $0x1  }
0x49: {  	_ =	swait.ge @!p0 [sflag:s0], s1  }
0x4a: {  	s1 =	ssub.s32 @!p0 $0x0, s1;
	[sflag:s0] =	ssyncset.done @!p0 $0x0  }
0x4b: {  	[sflag:s0] =	ssyncadd.s32 @!p0 s1  }
0x4c: {  	[bflag:$0x3] =	sbarrier.arrive $0xFFFF  }
0x4d: {  	_ =	shalt  }

</sc_bundles>
